<compile_context>
chip_gen: v7x
topology: tpu7x:2x2x1
jax: 0.10.2.dev20260603
libtpu: 0.0.44.dev20260713+nightly
codegen_flags: <defaults>
</compile_context>

<pallas_src>
import jax
import jax.numpy as jnp
from jax import lax
from jax.experimental import pallas as pl
from jax.experimental.pallas import tpu as pltpu
from jax.experimental.pallas import tpu_sc as plsc

B = 16384
D = 128
NC = 2
NS = 16
NW = NC * NS
BPW = B // NW
LANES = 16
NCH = 2
C = BPW // NCH


def _double(buf):
    def row_fn(r, carry):
        for j in range(D // LANES):
            sl = (r, pl.ds(j * LANES, LANES))
            v = buf[sl]
            buf[sl] = v + v
        return carry

    lax.fori_loop(0, C, row_fn, 0)


def _body(x_hbm, idx_hbm, out_hbm, idx_v, buf0, buf1, gsem, ssem):
    wid = lax.axis_index("s") * NC + lax.axis_index("c")
    base = wid * BPW
    bufs = (buf0, buf1)

    pltpu.sync_copy(idx_hbm.at[pl.ds(base, BPW)], idx_v)

    g0 = pltpu.async_copy(x_hbm.at[idx_v.at[pl.ds(0, C)]], bufs[0], gsem)
    g1 = pltpu.async_copy(x_hbm.at[idx_v.at[pl.ds(C, C)]], bufs[1], gsem)
    g0.wait()
    _double(bufs[0])
    s0 = pltpu.async_copy(bufs[0], out_hbm.at[pl.ds(base, C)], ssem)
    g1.wait()
    _double(bufs[1])
    s1 = pltpu.async_copy(bufs[1], out_hbm.at[pl.ds(base + C, C)], ssem)
    s0.wait()
    s1.wait()


def kernel(input, indices):
    idx32 = indices.astype(jnp.int32)
    mesh = plsc.VectorSubcoreMesh(core_axis_name="c", subcore_axis_name="s")
    f = pl.kernel(
        _body,
        mesh=mesh,
        out_type=jax.ShapeDtypeStruct((B, D), jnp.float32),
        scratch_types=[
            pltpu.VMEM((BPW,), jnp.int32),
            pltpu.VMEM((C, D), jnp.float32),
            pltpu.VMEM((C, D), jnp.float32),
            pltpu.SemaphoreType.DMA,
            pltpu.SemaphoreType.DMA,
        ],
    )
    return f(input, idx32)

# --- scband reference (transcript-rebuilt; emitter-appended) ---
"""Pipeline reference for scband-simple-batch-permutation-module-17652315587257 (READ-ONLY COPY).

The authoritative reference and input builder live on the scoring server;
editing this copy changes nothing except your own understanding.
"""

import jax, jax.numpy as jnp
import numpy as np


def setup_inputs(seed: int = 0) -> dict:
    key = jax.random.key(seed)
    k1, k2 = jax.random.split(key)
    x = jax.random.normal(k1, (16384, 128), dtype=jnp.float32)
    indices = jax.random.randint(k2, (16384,), 0, 16384, dtype=jnp.int64)
    return {"input": x, "indices": indices}


def reference(input, indices):
    # torch.ops._caffe2.BatchPermutation(x, idx): out[i] = x[idx[i]]
    doubled = input + input
    return jnp.take(doubled, indices, axis=0)

if __name__ == "__main__":
    import jax
    _d = setup_inputs()
    print(jax.jit(kernel)(*tuple(_d.values())))

</pallas_src>

<mosaic_0001>
#map = affine_map<(d0, d1) -> (0, 0)>
#map1 = affine_map<(d0, d1) -> (0)>
module attributes {stable_mosaic.version = 14 : i64} {
  func.func @_body(%arg0: i32, %arg1: i32, %arg2: memref<16384x128xf32, #tpu.memory_space<hbm>>, %arg3: memref<16384xi32, #tpu.memory_space<hbm>>, %arg4: memref<16384x128xf32, #tpu.memory_space<hbm>>, %arg5: memref<512xi32, #tpu.memory_space<vmem>>, %arg6: memref<256x128xf32, #tpu.memory_space<vmem>>, %arg7: memref<256x128xf32, #tpu.memory_space<vmem>>, %arg8: memref<!tpu.dma_semaphore, #tpu.memory_space<semaphore_mem>>, %arg9: memref<!tpu.dma_semaphore, #tpu.memory_space<semaphore_mem>>) attributes {dimension_semantics = [#tpu.dimension_semantics<core_parallel>, #tpu.dimension_semantics<subcore_parallel>], iteration_bounds = array<i64: 2, 16>, scalar_prefetch = 0 : i64, scratch_operands = 5 : i64, tpu.core_type = #tpu.core_type<sc_vector_subcore>, window_params = [{transform_indices = #map}, {transform_indices = #map1}, {transform_indices = #map}]} {
    %mul3A = arith.constant 2 : i32
    %mul3A_0 = arith.muli %arg1, %mul3A : i32
    %add3A = arith.addi %mul3A_0, %arg0 : i32
    %mul3A_1 = arith.constant 512 : i32
    %mul3A_2 = arith.muli %add3A, %mul3A_1 : i32
    "tpu.region"() ({
      %run_scoped3A = tpu.sem_alloc : memref<!tpu.dma_semaphore, #tpu.memory_space<semaphore_mem>>
      %dma_start3A_50 = tpu.memref_slice %arg3[%mul3A_2] : memref<16384xi32, #tpu.memory_space<hbm>> -> memref<512xi32, #tpu.memory_space<hbm>>
      %dma_start3A_51 = tpu.memref_slice %arg3[%mul3A_2] : memref<16384xi32, #tpu.memory_space<hbm>> -> memref<512xi32, #tpu.memory_space<hbm>>
      tpu.enqueue_dma source(%dma_start3A_51 : memref<512xi32, #tpu.memory_space<hbm>>) target(%arg5 : memref<512xi32, #tpu.memory_space<vmem>>) target_semaphore(%run_scoped3A : memref<!tpu.dma_semaphore, #tpu.memory_space<semaphore_mem>>)
      %dma_wait3A_52 = tpu.memref_slice %arg3[%mul3A_2] : memref<16384xi32, #tpu.memory_space<hbm>> -> memref<512xi32, #tpu.memory_space<hbm>>
      %dma_wait3A_53 = tpu.memref_slice %arg3[%mul3A_2] : memref<16384xi32, #tpu.memory_space<hbm>> -> memref<512xi32, #tpu.memory_space<hbm>>
      tpu.wait_dma2 semaphore(%run_scoped3A : memref<!tpu.dma_semaphore, #tpu.memory_space<semaphore_mem>>) src(%dma_wait3A_53 : memref<512xi32, #tpu.memory_space<hbm>>) dst(%arg5 : memref<512xi32, #tpu.memory_space<vmem>>)
      tpu.yield
    }) : () -> ()
    %dma_start3A = arith.constant 0 : i32
    %dma_start3A_3 = tpu.memref_slice %arg5[%dma_start3A] : memref<512xi32, #tpu.memory_space<vmem>> -> memref<256xi32, #tpu.memory_space<vmem>>
    %dma_start3A_4 = arith.constant 0 : i32
    %dma_start3A_5 = arith.constant 0 : i32
    %dma_start3A_6 = tpu.memref_slice %arg2[%dma_start3A_4, %dma_start3A_5] : memref<16384x128xf32, #tpu.memory_space<hbm>> -> memref<16384x128xf32, #tpu.memory_space<hbm>>
    tpu.enqueue_indirect_dma source(%dma_start3A_6 : memref<16384x128xf32, #tpu.memory_space<hbm>>) target(%arg6 : memref<256x128xf32, #tpu.memory_space<vmem>>) offsets(%dma_start3A_3 : memref<256xi32, #tpu.memory_space<vmem>>) semaphore(%arg8 : memref<!tpu.dma_semaphore, #tpu.memory_space<semaphore_mem>>)
    %dma_start3A_7 = arith.constant 256 : i32
    %dma_start3A_8 = tpu.memref_slice %arg5[%dma_start3A_7] : memref<512xi32, #tpu.memory_space<vmem>> -> memref<256xi32, #tpu.memory_space<vmem>>
    %dma_start3A_9 = arith.constant 0 : i32
    %dma_start3A_10 = arith.constant 0 : i32
    %dma_start3A_11 = tpu.memref_slice %arg2[%dma_start3A_9, %dma_start3A_10] : memref<16384x128xf32, #tpu.memory_space<hbm>> -> memref<16384x128xf32, #tpu.memory_space<hbm>>
    tpu.enqueue_indirect_dma source(%dma_start3A_11 : memref<16384x128xf32, #tpu.memory_space<hbm>>) target(%arg7 : memref<256x128xf32, #tpu.memory_space<vmem>>) offsets(%dma_start3A_8 : memref<256xi32, #tpu.memory_space<vmem>>) semaphore(%arg8 : memref<!tpu.dma_semaphore, #tpu.memory_space<semaphore_mem>>)
    %dma_wait3A = arith.constant 0 : i32
    %dma_wait3A_12 = tpu.memref_slice %arg5[%dma_wait3A] : memref<512xi32, #tpu.memory_space<vmem>> -> memref<256xi32, #tpu.memory_space<vmem>>
    %dma_wait3A_13 = arith.constant 0 : i32
    %dma_wait3A_14 = arith.constant 0 : i32
    %dma_wait3A_15 = tpu.memref_slice %arg2[%dma_wait3A_13, %dma_wait3A_14] : memref<16384x128xf32, #tpu.memory_space<hbm>> -> memref<16384x128xf32, #tpu.memory_space<hbm>>
    tpu.wait_indirect_dma semaphore(%arg8 : memref<!tpu.dma_semaphore, #tpu.memory_space<semaphore_mem>>) src(%dma_wait3A_15 : memref<16384x128xf32, #tpu.memory_space<hbm>>) dst(%arg6 : memref<256x128xf32, #tpu.memory_space<vmem>>)
    %scan3A = arith.constant 0 : i32
    %scan3A_16 = arith.constant 0 : i32
    %scan3A_17 = arith.constant 256 : i32
    %scan3A_18 = arith.addi %scan3A_16, %scan3A_17 : i32
    %scan3A_19 = arith.constant 1 : i32
    scf.for %scan3A_50 = %scan3A_16 to %scan3A_18 step %scan3A_19  : i32 {
      %get3A = arith.index_cast %scan3A_50 : i32 to index
      %get3A_51 = arith.constant 0 : index
      %get3A_52 = tpu.vector_load %arg6[%get3A, %get3A_51] {strides = array<i32>} : memref<256x128xf32, #tpu.memory_space<vmem>>, vector<1x16xf32>,
      %get3A_53 = vector.shape_cast %get3A_52 : vector<1x16xf32> to vector<16xf32>
      %add3A_54 = arith.addf %get3A_53, %get3A_53 : vector<16xf32>
      %swap3A = arith.index_cast %scan3A_50 : i32 to index
      %swap3A_55 = arith.constant 0 : index
      %swap3A_56 = tpu.vector_load %arg6[%swap3A, %swap3A_55] {strides = array<i32>} : memref<256x128xf32, #tpu.memory_space<vmem>>, vector<1x16xf32>,
      %swap3A_57 = vector.shape_cast %swap3A_56 : vector<1x16xf32> to vector<16xf32>
      %swap3A_58 = vector.shape_cast %add3A_54 : vector<16xf32> to vector<1x16xf32>
      tpu.vector_store %arg6[%swap3A, %swap3A_55], %swap3A_58 {strides = array<i32>} : memref<256x128xf32, #tpu.memory_space<vmem>>, vector<1x16xf32>,
      %get3A_59 = arith.index_cast %scan3A_50 : i32 to index
      %get3A_60 = arith.constant 16 : index
      %get3A_61 = tpu.vector_load %arg6[%get3A_59, %get3A_60] {strides = array<i32>} : memref<256x128xf32, #tpu.memory_space<vmem>>, vector<1x16xf32>,
      %get3A_62 = vector.shape_cast %get3A_61 : vector<1x16xf32> to vector<16xf32>
      %add3A_63 = arith.addf %get3A_62, %get3A_62 : vector<16xf32>
      %swap3A_64 = arith.index_cast %scan3A_50 : i32 to index
      %swap3A_65 = arith.constant 16 : index
      %swap3A_66 = tpu.vector_load %arg6[%swap3A_64, %swap3A_65] {strides = array<i32>} : memref<256x128xf32, #tpu.memory_space<vmem>>, vector<1x16xf32>,
      %swap3A_67 = vector.shape_cast %swap3A_66 : vector<1x16xf32> to vector<16xf32>
      %swap3A_68 = vector.shape_cast %add3A_63 : vector<16xf32> to vector<1x16xf32>
      tpu.vector_store %arg6[%swap3A_64, %swap3A_65], %swap3A_68 {strides = array<i32>} : memref<256x128xf32, #tpu.memory_space<vmem>>, vector<1x16xf32>,
      %get3A_69 = arith.index_cast %scan3A_50 : i32 to index
      %get3A_70 = arith.constant 32 : index
      %get3A_71 = tpu.vector_load %arg6[%get3A_69, %get3A_70] {strides = array<i32>} : memref<256x128xf32, #tpu.memory_space<vmem>>, vector<1x16xf32>,
      %get3A_72 = vector.shape_cast %get3A_71 : vector<1x16xf32> to vector<16xf32>
      %add3A_73 = arith.addf %get3A_72, %get3A_72 : vector<16xf32>
      %swap3A_74 = arith.index_cast %scan3A_50 : i32 to index
      %swap3A_75 = arith.constant 32 : index
      %swap3A_76 = tpu.vector_load %arg6[%swap3A_74, %swap3A_75] {strides = array<i32>} : memref<256x128xf32, #tpu.memory_space<vmem>>, vector<1x16xf32>,
      %swap3A_77 = vector.shape_cast %swap3A_76 : vector<1x16xf32> to vector<16xf32>
      %swap3A_78 = vector.shape_cast %add3A_73 : vector<16xf32> to vector<1x16xf32>
      tpu.vector_store %arg6[%swap3A_74, %swap3A_75], %swap3A_78 {strides = array<i32>} : memref<256x128xf32, #tpu.memory_space<vmem>>, vector<1x16xf32>,
      %get3A_79 = arith.index_cast %scan3A_50 : i32 to index
      %get3A_80 = arith.constant 48 : index
      %get3A_81 = tpu.vector_load %arg6[%get3A_79, %get3A_80] {strides = array<i32>} : memref<256x128xf32, #tpu.memory_space<vmem>>, vector<1x16xf32>,
      %get3A_82 = vector.shape_cast %get3A_81 : vector<1x16xf32> to vector<16xf32>
      %add3A_83 = arith.addf %get3A_82, %get3A_82 : vector<16xf32>
      %swap3A_84 = arith.index_cast %scan3A_50 : i32 to index
      %swap3A_85 = arith.constant 48 : index
      %swap3A_86 = tpu.vector_load %arg6[%swap3A_84, %swap3A_85] {strides = array<i32>} : memref<256x128xf32, #tpu.memory_space<vmem>>, vector<1x16xf32>,
      %swap3A_87 = vector.shape_cast %swap3A_86 : vector<1x16xf32> to vector<16xf32>
      %swap3A_88 = vector.shape_cast %add3A_83 : vector<16xf32> to vector<1x16xf32>
      tpu.vector_store %arg6[%swap3A_84, %swap3A_85], %swap3A_88 {strides = array<i32>} : memref<256x128xf32, #tpu.memory_space<vmem>>, vector<1x16xf32>,
      %get3A_89 = arith.index_cast %scan3A_50 : i32 to index
      %get3A_90 = arith.constant 64 : index
      %get3A_91 = tpu.vector_load %arg6[%get3A_89, %get3A_90] {strides = array<i32>} : memref<256x128xf32, #tpu.memory_space<vmem>>, vector<1x16xf32>,
      %get3A_92 = vector.shape_cast %get3A_91 : vector<1x16xf32> to vector<16xf32>
      %add3A_93 = arith.addf %get3A_92, %get3A_92 : vector<16xf32>
      %swap3A_94 = arith.index_cast %scan3A_50 : i32 to index
      %swap3A_95 = arith.constant 64 : index
      %swap3A_96 = tpu.vector_load %arg6[%swap3A_94, %swap3A_95] {strides = array<i32>} : memref<256x128xf32, #tpu.memory_space<vmem>>, vector<1x16xf32>,
      %swap3A_97 = vector.shape_cast %swap3A_96 : vector<1x16xf32> to vector<16xf32>
      %swap3A_98 = vector.shape_cast %add3A_93 : vector<16xf32> to vector<1x16xf32>
      tpu.vector_store %arg6[%swap3A_94, %swap3A_95], %swap3A_98 {strides = array<i32>} : memref<256x128xf32, #tpu.memory_space<vmem>>, vector<1x16xf32>,
      %get3A_99 = arith.index_cast %scan3A_50 : i32 to index
      %get3A_100 = arith.constant 80 : index
      %get3A_101 = tpu.vector_load %arg6[%get3A_99, %get3A_100] {strides = array<i32>} : memref<256x128xf32, #tpu.memory_space<vmem>>, vector<1x16xf32>,
      %get3A_102 = vector.shape_cast %get3A_101 : vector<1x16xf32> to vector<16xf32>
      %add3A_103 = arith.addf %get3A_102, %get3A_102 : vector<16xf32>
      %swap3A_104 = arith.index_cast %scan3A_50 : i32 to index
      %swap3A_105 = arith.constant 80 : index
      %swap3A_106 = tpu.vector_load %arg6[%swap3A_104, %swap3A_105] {strides = array<i32>} : memref<256x128xf32, #tpu.memory_space<vmem>>, vector<1x16xf32>,
      %swap3A_107 = vector.shape_cast %swap3A_106 : vector<1x16xf32> to vector<16xf32>
      %swap3A_108 = vector.shape_cast %add3A_103 : vector<16xf32> to vector<1x16xf32>
      tpu.vector_store %arg6[%swap3A_104, %swap3A_105], %swap3A_108 {strides = array<i32>} : memref<256x128xf32, #tpu.memory_space<vmem>>, vector<1x16xf32>,
      %get3A_109 = arith.index_cast %scan3A_50 : i32 to index
      %get3A_110 = arith.constant 96 : index
      %get3A_111 = tpu.vector_load %arg6[%get3A_109, %get3A_110] {strides = array<i32>} : memref<256x128xf32, #tpu.memory_space<vmem>>, vector<1x16xf32>,
      %get3A_112 = vector.shape_cast %get3A_111 : vector<1x16xf32> to vector<16xf32>
      %add3A_113 = arith.addf %get3A_112, %get3A_112 : vector<16xf32>
      %swap3A_114 = arith.index_cast %scan3A_50 : i32 to index
      %swap3A_115 = arith.constant 96 : index
      %swap3A_116 = tpu.vector_load %arg6[%swap3A_114, %swap3A_115] {strides = array<i32>} : memref<256x128xf32, #tpu.memory_space<vmem>>, vector<1x16xf32>,
      %swap3A_117 = vector.shape_cast %swap3A_116 : vector<1x16xf32> to vector<16xf32>
      %swap3A_118 = vector.shape_cast %add3A_113 : vector<16xf32> to vector<1x16xf32>
      tpu.vector_store %arg6[%swap3A_114, %swap3A_115], %swap3A_118 {strides = array<i32>} : memref<256x128xf32, #tpu.memory_space<vmem>>, vector<1x16xf32>,
      %get3A_119 = arith.index_cast %scan3A_50 : i32 to index
      %get3A_120 = arith.constant 112 : index
      %get3A_121 = tpu.vector_load %arg6[%get3A_119, %get3A_120] {strides = array<i32>} : memref<256x128xf32, #tpu.memory_space<vmem>>, vector<1x16xf32>,
      %get3A_122 = vector.shape_cast %get3A_121 : vector<1x16xf32> to vector<16xf32>
      %add3A_123 = arith.addf %get3A_122, %get3A_122 : vector<16xf32>
      %swap3A_124 = arith.index_cast %scan3A_50 : i32 to index
      %swap3A_125 = arith.constant 112 : index
      %swap3A_126 = tpu.vector_load %arg6[%swap3A_124, %swap3A_125] {strides = array<i32>} : memref<256x128xf32, #tpu.memory_space<vmem>>, vector<1x16xf32>,
      %swap3A_127 = vector.shape_cast %swap3A_126 : vector<1x16xf32> to vector<16xf32>
      %swap3A_128 = vector.shape_cast %add3A_123 : vector<16xf32> to vector<1x16xf32>
      tpu.vector_store %arg6[%swap3A_124, %swap3A_125], %swap3A_128 {strides = array<i32>} : memref<256x128xf32, #tpu.memory_space<vmem>>, vector<1x16xf32>,
    }
    %scan3A_20 = arith.constant 256 : i32
    %dma_start3A_21 = arith.constant 0 : i32
    %dma_start3A_22 = tpu.memref_slice %arg4[%mul3A_2, %dma_start3A_21] : memref<16384x128xf32, #tpu.memory_space<hbm>> -> memref<256x128xf32, #tpu.memory_space<hbm>>
    %dma_start3A_23 = arith.constant 0 : i32
    %dma_start3A_24 = tpu.memref_slice %arg4[%mul3A_2, %dma_start3A_23] : memref<16384x128xf32, #tpu.memory_space<hbm>> -> memref<256x128xf32, #tpu.memory_space<hbm>>
    tpu.enqueue_dma source(%arg6 : memref<256x128xf32, #tpu.memory_space<vmem>>) target(%dma_start3A_24 : memref<256x128xf32, #tpu.memory_space<hbm>>) target_semaphore(%arg9 : memref<!tpu.dma_semaphore, #tpu.memory_space<semaphore_mem>>)
    %dma_wait3A_25 = arith.constant 256 : i32
    %dma_wait3A_26 = tpu.memref_slice %arg5[%dma_wait3A_25] : memref<512xi32, #tpu.memory_space<vmem>> -> memref<256xi32, #tpu.memory_space<vmem>>
    %dma_wait3A_27 = arith.constant 0 : i32
    %dma_wait3A_28 = arith.constant 0 : i32
    %dma_wait3A_29 = tpu.memref_slice %arg2[%dma_wait3A_27, %dma_wait3A_28] : memref<16384x128xf32, #tpu.memory_space<hbm>> -> memref<16384x128xf32, #tpu.memory_space<hbm>>
    tpu.wait_indirect_dma semaphore(%arg8 : memref<!tpu.dma_semaphore, #tpu.memory_space<semaphore_mem>>) src(%dma_wait3A_29 : memref<16384x128xf32, #tpu.memory_space<hbm>>) dst(%arg7 : memref<256x128xf32, #tpu.memory_space<vmem>>)
    %scan3A_30 = arith.constant 0 : i32
    %scan3A_31 = arith.constant 0 : i32
    %scan3A_32 = arith.constant 256 : i32
    %scan3A_33 = arith.addi %scan3A_31, %scan3A_32 : i32
    %scan3A_34 = arith.constant 1 : i32
    scf.for %scan3A_50 = %scan3A_31 to %scan3A_33 step %scan3A_34  : i32 {
      %get3A = arith.index_cast %scan3A_50 : i32 to index
      %get3A_51 = arith.constant 0 : index
      %get3A_52 = tpu.vector_load %arg7[%get3A, %get3A_51] {strides = array<i32>} : memref<256x128xf32, #tpu.memory_space<vmem>>, vector<1x16xf32>,
      %get3A_53 = vector.shape_cast %get3A_52 : vector<1x16xf32> to vector<16xf32>
      %add3A_54 = arith.addf %get3A_53, %get3A_53 : vector<16xf32>
      %swap3A = arith.index_cast %scan3A_50 : i32 to index
      %swap3A_55 = arith.constant 0 : index
      %swap3A_56 = tpu.vector_load %arg7[%swap3A, %swap3A_55] {strides = array<i32>} : memref<256x128xf32, #tpu.memory_space<vmem>>, vector<1x16xf32>,
      %swap3A_57 = vector.shape_cast %swap3A_56 : vector<1x16xf32> to vector<16xf32>
      %swap3A_58 = vector.shape_cast %add3A_54 : vector<16xf32> to vector<1x16xf32>
      tpu.vector_store %arg7[%swap3A, %swap3A_55], %swap3A_58 {strides = array<i32>} : memref<256x128xf32, #tpu.memory_space<vmem>>, vector<1x16xf32>,
      %get3A_59 = arith.index_cast %scan3A_50 : i32 to index
      %get3A_60 = arith.constant 16 : index
      %get3A_61 = tpu.vector_load %arg7[%get3A_59, %get3A_60] {strides = array<i32>} : memref<256x128xf32, #tpu.memory_space<vmem>>, vector<1x16xf32>,
      %get3A_62 = vector.shape_cast %get3A_61 : vector<1x16xf32> to vector<16xf32>
      %add3A_63 = arith.addf %get3A_62, %get3A_62 : vector<16xf32>
      %swap3A_64 = arith.index_cast %scan3A_50 : i32 to index
      %swap3A_65 = arith.constant 16 : index
      %swap3A_66 = tpu.vector_load %arg7[%swap3A_64, %swap3A_65] {strides = array<i32>} : memref<256x128xf32, #tpu.memory_space<vmem>>, vector<1x16xf32>,
      %swap3A_67 = vector.shape_cast %swap3A_66 : vector<1x16xf32> to vector<16xf32>
      %swap3A_68 = vector.shape_cast %add3A_63 : vector<16xf32> to vector<1x16xf32>
      tpu.vector_store %arg7[%swap3A_64, %swap3A_65], %swap3A_68 {strides = array<i32>} : memref<256x128xf32, #tpu.memory_space<vmem>>, vector<1x16xf32>,
      %get3A_69 = arith.index_cast %scan3A_50 : i32 to index
      %get3A_70 = arith.constant 32 : index
      %get3A_71 = tpu.vector_load %arg7[%get3A_69, %get3A_70] {strides = array<i32>} : memref<256x128xf32, #tpu.memory_space<vmem>>, vector<1x16xf32>,
      %get3A_72 = vector.shape_cast %get3A_71 : vector<1x16xf32> to vector<16xf32>
      %add3A_73 = arith.addf %get3A_72, %get3A_72 : vector<16xf32>
      %swap3A_74 = arith.index_cast %scan3A_50 : i32 to index
      %swap3A_75 = arith.constant 32 : index
      %swap3A_76 = tpu.vector_load %arg7[%swap3A_74, %swap3A_75] {strides = array<i32>} : memref<256x128xf32, #tpu.memory_space<vmem>>, vector<1x16xf32>,
      %swap3A_77 = vector.shape_cast %swap3A_76 : vector<1x16xf32> to vector<16xf32>
      %swap3A_78 = vector.shape_cast %add3A_73 : vector<16xf32> to vector<1x16xf32>
      tpu.vector_store %arg7[%swap3A_74, %swap3A_75], %swap3A_78 {strides = array<i32>} : memref<256x128xf32, #tpu.memory_space<vmem>>, vector<1x16xf32>,
      %get3A_79 = arith.index_cast %scan3A_50 : i32 to index
      %get3A_80 = arith.constant 48 : index
      %get3A_81 = tpu.vector_load %arg7[%get3A_79, %get3A_80] {strides = array<i32>} : memref<256x128xf32, #tpu.memory_space<vmem>>, vector<1x16xf32>,
      %get3A_82 = vector.shape_cast %get3A_81 : vector<1x16xf32> to vector<16xf32>
      %add3A_83 = arith.addf %get3A_82, %get3A_82 : vector<16xf32>
      %swap3A_84 = arith.index_cast %scan3A_50 : i32 to index
      %swap3A_85 = arith.constant 48 : index
      %swap3A_86 = tpu.vector_load %arg7[%swap3A_84, %swap3A_85] {strides = array<i32>} : memref<256x128xf32, #tpu.memory_space<vmem>>, vector<1x16xf32>,
      %swap3A_87 = vector.shape_cast %swap3A_86 : vector<1x16xf32> to vector<16xf32>
      %swap3A_88 = vector.shape_cast %add3A_83 : vector<16xf32> to vector<1x16xf32>
      tpu.vector_store %arg7[%swap3A_84, %swap3A_85], %swap3A_88 {strides = array<i32>} : memref<256x128xf32, #tpu.memory_space<vmem>>, vector<1x16xf32>,
      %get3A_89 = arith.index_cast %scan3A_50 : i32 to index
      %get3A_90 = arith.constant 64 : index
      %get3A_91 = tpu.vector_load %arg7[%get3A_89, %get3A_90] {strides = array<i32>} : memref<256x128xf32, #tpu.memory_space<vmem>>, vector<1x16xf32>,
      %get3A_92 = vector.shape_cast %get3A_91 : vector<1x16xf32> to vector<16xf32>
      %add3A_93 = arith.addf %get3A_92, %get3A_92 : vector<16xf32>
      %swap3A_94 = arith.index_cast %scan3A_50 : i32 to index
      %swap3A_95 = arith.constant 64 : index
      %swap3A_96 = tpu.vector_load %arg7[%swap3A_94, %swap3A_95] {strides = array<i32>} : memref<256x128xf32, #tpu.memory_space<vmem>>, vector<1x16xf32>,
      %swap3A_97 = vector.shape_cast %swap3A_96 : vector<1x16xf32> to vector<16xf32>
      %swap3A_98 = vector.shape_cast %add3A_93 : vector<16xf32> to vector<1x16xf32>
      tpu.vector_store %arg7[%swap3A_94, %swap3A_95], %swap3A_98 {strides = array<i32>} : memref<256x128xf32, #tpu.memory_space<vmem>>, vector<1x16xf32>,
      %get3A_99 = arith.index_cast %scan3A_50 : i32 to index
      %get3A_100 = arith.constant 80 : index
      %get3A_101 = tpu.vector_load %arg7[%get3A_99, %get3A_100] {strides = array<i32>} : memref<256x128xf32, #tpu.memory_space<vmem>>, vector<1x16xf32>,
      %get3A_102 = vector.shape_cast %get3A_101 : vector<1x16xf32> to vector<16xf32>
      %add3A_103 = arith.addf %get3A_102, %get3A_102 : vector<16xf32>
      %swap3A_104 = arith.index_cast %scan3A_50 : i32 to index
      %swap3A_105 = arith.constant 80 : index
      %swap3A_106 = tpu.vector_load %arg7[%swap3A_104, %swap3A_105] {strides = array<i32>} : memref<256x128xf32, #tpu.memory_space<vmem>>, vector<1x16xf32>,
      %swap3A_107 = vector.shape_cast %swap3A_106 : vector<1x16xf32> to vector<16xf32>
      %swap3A_108 = vector.shape_cast %add3A_103 : vector<16xf32> to vector<1x16xf32>
      tpu.vector_store %arg7[%swap3A_104, %swap3A_105], %swap3A_108 {strides = array<i32>} : memref<256x128xf32, #tpu.memory_space<vmem>>, vector<1x16xf32>,
      %get3A_109 = arith.index_cast %scan3A_50 : i32 to index
      %get3A_110 = arith.constant 96 : index
      %get3A_111 = tpu.vector_load %arg7[%get3A_109, %get3A_110] {strides = array<i32>} : memref<256x128xf32, #tpu.memory_space<vmem>>, vector<1x16xf32>,
      %get3A_112 = vector.shape_cast %get3A_111 : vector<1x16xf32> to vector<16xf32>
      %add3A_113 = arith.addf %get3A_112, %get3A_112 : vector<16xf32>
      %swap3A_114 = arith.index_cast %scan3A_50 : i32 to index
      %swap3A_115 = arith.constant 96 : index
      %swap3A_116 = tpu.vector_load %arg7[%swap3A_114, %swap3A_115] {strides = array<i32>} : memref<256x128xf32, #tpu.memory_space<vmem>>, vector<1x16xf32>,
      %swap3A_117 = vector.shape_cast %swap3A_116 : vector<1x16xf32> to vector<16xf32>
      %swap3A_118 = vector.shape_cast %add3A_113 : vector<16xf32> to vector<1x16xf32>
      tpu.vector_store %arg7[%swap3A_114, %swap3A_115], %swap3A_118 {strides = array<i32>} : memref<256x128xf32, #tpu.memory_space<vmem>>, vector<1x16xf32>,
      %get3A_119 = arith.index_cast %scan3A_50 : i32 to index
      %get3A_120 = arith.constant 112 : index
      %get3A_121 = tpu.vector_load %arg7[%get3A_119, %get3A_120] {strides = array<i32>} : memref<256x128xf32, #tpu.memory_space<vmem>>, vector<1x16xf32>,
      %get3A_122 = vector.shape_cast %get3A_121 : vector<1x16xf32> to vector<16xf32>
      %add3A_123 = arith.addf %get3A_122, %get3A_122 : vector<16xf32>
      %swap3A_124 = arith.index_cast %scan3A_50 : i32 to index
      %swap3A_125 = arith.constant 112 : index
      %swap3A_126 = tpu.vector_load %arg7[%swap3A_124, %swap3A_125] {strides = array<i32>} : memref<256x128xf32, #tpu.memory_space<vmem>>, vector<1x16xf32>,
      %swap3A_127 = vector.shape_cast %swap3A_126 : vector<1x16xf32> to vector<16xf32>
      %swap3A_128 = vector.shape_cast %add3A_123 : vector<16xf32> to vector<1x16xf32>
      tpu.vector_store %arg7[%swap3A_124, %swap3A_125], %swap3A_128 {strides = array<i32>} : memref<256x128xf32, #tpu.memory_space<vmem>>, vector<1x16xf32>,
    }
    %scan3A_35 = arith.constant 256 : i32
    %add3A_36 = arith.constant 256 : i32
    %add3A_37 = arith.addi %mul3A_2, %add3A_36 : i32
    %dma_start3A_38 = arith.constant 0 : i32
    %dma_start3A_39 = tpu.memref_slice %arg4[%add3A_37, %dma_start3A_38] : memref<16384x128xf32, #tpu.memory_space<hbm>> -> memref<256x128xf32, #tpu.memory_space<hbm>>
    %dma_start3A_40 = arith.constant 0 : i32
    %dma_start3A_41 = tpu.memref_slice %arg4[%add3A_37, %dma_start3A_40] : memref<16384x128xf32, #tpu.memory_space<hbm>> -> memref<256x128xf32, #tpu.memory_space<hbm>>
    tpu.enqueue_dma source(%arg7 : memref<256x128xf32, #tpu.memory_space<vmem>>) target(%dma_start3A_41 : memref<256x128xf32, #tpu.memory_space<hbm>>) target_semaphore(%arg9 : memref<!tpu.dma_semaphore, #tpu.memory_space<semaphore_mem>>)
    %dma_wait3A_42 = arith.constant 0 : i32
    %dma_wait3A_43 = tpu.memref_slice %arg4[%mul3A_2, %dma_wait3A_42] : memref<16384x128xf32, #tpu.memory_space<hbm>> -> memref<256x128xf32, #tpu.memory_space<hbm>>
    %dma_wait3A_44 = arith.constant 0 : i32
    %dma_wait3A_45 = tpu.memref_slice %arg4[%mul3A_2, %dma_wait3A_44] : memref<16384x128xf32, #tpu.memory_space<hbm>> -> memref<256x128xf32, #tpu.memory_space<hbm>>
    tpu.wait_dma2 semaphore(%arg9 : memref<!tpu.dma_semaphore, #tpu.memory_space<semaphore_mem>>) src(%arg6 : memref<256x128xf32, #tpu.memory_space<vmem>>) dst(%dma_wait3A_45 : memref<256x128xf32, #tpu.memory_space<hbm>>)
    %dma_wait3A_46 = arith.constant 0 : i32
    %dma_wait3A_47 = tpu.memref_slice %arg4[%add3A_37, %dma_wait3A_46] : memref<16384x128xf32, #tpu.memory_space<hbm>> -> memref<256x128xf32, #tpu.memory_space<hbm>>
    %dma_wait3A_48 = arith.constant 0 : i32
    %dma_wait3A_49 = tpu.memref_slice %arg4[%add3A_37, %dma_wait3A_48] : memref<16384x128xf32, #tpu.memory_space<hbm>> -> memref<256x128xf32, #tpu.memory_space<hbm>>
    tpu.wait_dma2 semaphore(%arg9 : memref<!tpu.dma_semaphore, #tpu.memory_space<semaphore_mem>>) src(%arg7 : memref<256x128xf32, #tpu.memory_space<vmem>>) dst(%dma_wait3A_49 : memref<256x128xf32, #tpu.memory_space<hbm>>)
    return
  }
}

</mosaic_0001>

<sc_bundles>
// kernel: kernel.3.cloned.1.call-start
scs
__scs_entry_jumppad:
0x0: {  	(pc) =	sbr.rel $0x88, $3  }
0x1: {  	(tag) =	ssettag $0x0;
	lr =	simm.s32 $0x1  }
0x2: {  	[smem:$0x3F9F] =	sst lr;
	_ =	strace $0xD0000000  }
0x3: {  	_ = 	snop  }
0x4: {  	_ = 	snop  }
0x5: {  	_ = 	snop  }
0x6: {  	_ = 	snop  }
0x7: {  	_ = 	snop  }
__scs_overlays_trampoline_lowered:
0x8: {  	[smem:$0x3FAE] =	sst s0  }
0x9: {  	[smem:$0x3FAF] =	sst s1  }
0xa: {  	[smem:$0x3FB0] =	sst s2  }
0xb: {  	[smem:$0x3FB1] =	sst s3  }
0xc: {  	[smem:$0x3FB2] =	sst s4  }
0xd: {  	[smem:$0x3FB3] =	sst s5  }
0xe: {  	[smem:$0x3FB4] =	sst s6  }
0xf: {  	[smem:$0x3FB5] =	sst s7  }
0x10: {  	[smem:$0x3FB6] =	sst s8  }
0x11: {  	[smem:$0x3FB7] =	sst s9;
	s0 =	simm.s32 @!p0 $0x0  }
0x12: {  	s1 =	sld [smem:$0x3F9D];
	s0 =	simm.s32 @p0 $0x1  }
0x13: {  	[smem:$0x3FB8] =	sst s0;
	s0 =	simm.s32 @!p1 $0x0  }
0x14: {  	s2 =	sld [smem:$0x3F9C];
	s0 =	simm.s32 @p1 $0x1  }
0x15: {  	[smem:$0x3FB9] =	sst s0;
	s0 =	simm.s32 @!p2 $0x0  }
0x16: {  	s3 =	sld [smem:$0x3FDB];
	s0 =	simm.s32 @p2 $0x1  }
0x17: {  	s4 =	simm.s32 $0x1BF5;
	[smem:$0x3FBB] =	sst s0  }
0x18: {  	s0 =	sld [smem:$0x3F9E];
	_ =	swait.ge [sflag:s4], $0x0  }
0x19: {  	s7 =	sld [smem:$0x3F9F]  }
0x1a: {  	s8 =	sadd.s32 $0xFFFFE003, lr  }
0x1b: {  	s9 =	sadd.s32 $0xFFFFFEF7, lr;
	s5 =	simm.s32 $0xFFFFFFFF;
	p2 =	slt.u32 s8, $0xFFFFF086  }
0x1c: {  	p1 =	slt.u32 s9, $0xF7A;
	s5 =	simm.s32 @!p2 $0x0  }
0x1d: {  	s5 =	simm.s32 @p1 $0x1;
	p0 =	seq.s32 s7, s2  }
0x1e: {  	s7 =	smul.u32 @!p0 $0xF7A, s2;
	p2 =	seq.s32 @!p0 s5, $0x0  }
0x1f: {  	s9 =	smul.u32 $0xF7A, s1;
	s8 =	simm.s32 @!p0 $0x1BF5;
	p2 =	por !p2, p0  }
0x20: {  	[sflag:s8] =	ssyncset.s32 @!p0 $0xFFFFF086;
	s6 =	sadd.s32 @!p0 s3, s7;
	s7 =	simm.s32 @!p0 $0x108  }
0x21: {  	s3 =	sadd.s32 s3, s9;
	s6 =	sadd.s32 @!p0 $0x88, s6;
	s7 =	simm.s32 @p2 $0x1082  }
0x22: {  	[simem:s7], [sflag:s8] =	dma.local @!p0 [hbm:s6], $0xF7A  }
0x23: {  	s9 =	sor.u32 $0xD0000000, s2;
	s6 =	simm.s32 $0x108;
	_ =	swait.ge @!p0 [sflag:s8], $0x0  }
0x24: {  	s3 =	sadd.s32 $0x88, s3;
	s6 =	simm.s32 @!p1 $0x1082;
	[sflag:s4] =	ssyncset.s32 $0xFFFFF086  }
0x25: {  	[simem:s6], [sflag:s4] =	dma.local [hbm:s3], $0xF7A  }
0x26: {  	[smem:$0x3F9F] =	sst s1;
	(tag) =	ssettag s2;
	_ =	strace s9  }
0x27: {  	s1 =	sld [smem:$0x3FAF]  }
0x28: {  	s2 =	sld [smem:$0x3FB0]  }
0x29: {  	s4 =	sld [smem:$0x3FB2]  }
0x2a: {  	p0 =	seq.s32 s5, $0x0;
	s5 =	sld [smem:$0x3FB3]  }
0x2b: {  	s6 =	sld [smem:$0x3FB4]  }
0x2c: {  	s7 =	sld [smem:$0x3FB5]  }
0x2d: {  	s3 =	simm.s32 $0x108;
	s8 =	sld [smem:$0x3FB6]  }
0x2e: {  	s3 =	simm.s32 @!p0 $0x1082;
	s9 =	sld [smem:$0x3FB7]  }
0x2f: {  	lr =	sadd.s32 s0, s3;
	s0 =	sld [smem:$0x3FAE]  }
0x30: {  	s3 =	sld [smem:$0x3FB1]  }
0x31: {  	[smem:$0x3FBA] =	sst s10  }
0x32: {  	s10 =	sld [smem:$0x3FB8];
	_ =	sdelay $0x3  }
0x33: {  	p0 =	seq.s32 s10, $0x1;
	s10 =	sld [smem:$0x3FBA];
	_ =	sdelay $0x3  }
0x34: {  	[smem:$0x3FBA] =	sst s10  }
0x35: {  	s10 =	sld [smem:$0x3FB9];
	_ =	sdelay $0x3  }
0x36: {  	p1 =	seq.s32 s10, $0x1;
	s10 =	sld [smem:$0x3FBA];
	_ =	sdelay $0x3  }
0x37: {  	[smem:$0x3FBA] =	sst s10  }
0x38: {  	s10 =	sld [smem:$0x3FBB]  }
0x39: {  	_ = 	snop;
	(pc) =	sbr.ind lr, $3  }
0x3a: {  	_ = 	snop  }
0x3b: {  	_ = 	snop  }
0x3c: {  	p2 =	seq.s32 s10, $0x1;
	s10 =	sld [smem:$0x3FBA]  }
0x3d: {  	_ =	shalt  }
0x3e: {  	_ =	shalt  }
0x3f: {  	_ =	shalt  }
0x40: {  	_ =	shalt  }
0x41: {  	_ =	shalt  }
0x42: {  	_ =	shalt  }
0x43: {  	_ =	shalt  }
0x44: {  	_ =	shalt  }
0x45: {  	_ =	shalt  }
0x46: {  	_ =	shalt  }
0x47: {  	_ =	shalt  }
0x48: {  	_ =	shalt  }
0x49: {  	_ =	shalt  }
0x4a: {  	_ =	shalt  }
0x4b: {  	_ =	shalt  }
0x4c: {  	_ =	shalt  }
0x4d: {  	_ =	shalt  }
0x4e: {  	_ =	shalt  }
0x4f: {  	_ =	shalt  }
0x50: {  	_ =	shalt  }
0x51: {  	_ =	shalt  }
0x52: {  	_ =	shalt  }
0x53: {  	_ =	shalt  }
0x54: {  	_ =	shalt  }
0x55: {  	_ =	shalt  }
0x56: {  	_ =	shalt  }
0x57: {  	_ =	shalt  }
0x58: {  	_ =	shalt  }
0x59: {  	_ =	shalt  }
0x5a: {  	_ =	shalt  }
0x5b: {  	_ =	shalt  }
0x5c: {  	_ =	shalt  }
0x5d: {  	_ =	shalt  }
0x5e: {  	_ =	shalt  }
0x5f: {  	_ =	shalt  }
0x60: {  	_ =	shalt  }
0x61: {  	_ =	shalt  }
0x62: {  	_ =	shalt  }
0x63: {  	_ =	shalt  }
0x64: {  	_ =	shalt  }
0x65: {  	_ =	shalt  }
0x66: {  	_ =	shalt  }
0x67: {  	_ =	shalt  }
0x68: {  	_ =	shalt  }
0x69: {  	_ =	shalt  }
0x6a: {  	_ =	shalt  }
0x6b: {  	_ =	shalt  }
0x6c: {  	_ =	shalt  }
0x6d: {  	_ =	shalt  }
0x6e: {  	_ =	shalt  }
0x6f: {  	_ =	shalt  }
0x70: {  	_ =	shalt  }
0x71: {  	_ =	shalt  }
0x72: {  	_ =	shalt  }
0x73: {  	_ =	shalt  }
0x74: {  	_ =	shalt  }
0x75: {  	_ =	shalt  }
0x76: {  	_ =	shalt  }
0x77: {  	_ =	shalt  }
0x78: {  	_ =	shalt  }
0x79: {  	_ =	shalt  }
0x7a: {  	_ =	shalt  }
0x7b: {  	_ =	shalt  }
0x7c: {  	_ =	shalt  }
0x7d: {  	_ =	shalt  }
0x7e: {  	_ =	shalt  }
0x7f: {  	_ =	shalt  }
0x80: {  	_ =	shalt  }
0x81: {  	_ =	shalt  }
0x82: {  	_ =	shalt  }
0x83: {  	_ =	shalt  }
0x84: {  	_ =	shalt  }
0x85: {  	_ =	shalt  }
0x86: {  	_ =	shalt  }
0x87: {  	_ =	shalt  }
.Lfunc_end0:
.L_simem_size_0:
called_computation_lowered:
.L_overlay_start_0:
0x88: {  	s2 =	sld [smem:$0x3FD9]  }
0x89: {  	s3 =	sld [smem:$0x3FFE];
	_ =	sdelay $0x1  }
0x8a: {  	s1 =	srdreg.scid  }
0x8b: {  	s0 =	sand.u32 $0x1, s1  }
0x8c: {  	s18 =	sshll.u32 s0, $0xA;
	s2 =	sadd.s32 s3, s2  }
0x8d: {  	s2 =	sadd.s32 s2, s18  }
0x8e: {  	[smem:$0x3FC6] =	sst s2  }
0x8f: {  	_ = 	snop  }
0x90: {  	s2 =	sld [smem:$0x3FC9]  }
0x91: {  	s19 =	sld [smem:$0x3FC8]  }
0x92: {  	s4 =	sld [smem:$0x3FD0];
	(tm) =	ssettm $0x1  }
0x93: {  	s5 =	sld [smem:$0x3FFB];
	_ =	sdelay $0x3  }
0x94: {  	_ =	strace s5  }
0x95: {  	s5 =	sld [smem:$0x3FFC];
	_ =	sdelay $0x3  }
0x96: {  	_ =	strace s5  }
0x97: {  	s5 =	sld [smem:$0x3FFD];
	_ =	sdelay $0x3  }
0x98: {  	_ =	strace s5  }
0x99: {  	_ =	strace $0x8FFFFFFF  }
0x9a: {  	s20 =	sld [smem:$0x3FDB];
	_ =	sdelay $0x1  }
0x9b: {  	s6 =	simm.s32 $_scs_section_size  }
0x9c: {  	s7 =	simm.s32 $_size__tile_overlayer_lowered;
	s8 =	simm.s32 $_tile_overlayer_lowered  }
0x9d: {  	s23 =	simm.s32 $0x1BFF;
	s22 =	sshll.u32 s8, $0x1;
	s5 =	sadd.s32 s6, s20  }
0x9e: {  	s9 =	simm.s32 $0x0;
	s21 =	sshll.u32 s7, $0x1;
	s7 =	sadd.s32 s22, s5  }
0x9f: {  	[timem:s9], [sflag:s23] =	dma.local [hbm:s7], s21  }
0xa0: {  	_ =	swait.ge [sflag:s23], s21  }
0xa1: {  	s6 =	ssub.s32 $0x0, s21;
	[sflag:s23] =	ssyncset.done $0x0  }
0xa2: {  	[sflag:s23] =	ssyncadd.s32 s6;
	_ =	sdelay $0x1  }
0xa3: {  	s24 =	simm.s32 $0x1B8B  }
0xa4: {  	_ =	swait.ge [sflag:s24], $0x1  }
0xa5: {  	[sflag:s24] =	ssyncset.done $0x0  }
0xa6: {  	s25 =	simm.s32 $0x1B8E;
	[sflag:s24] =	ssyncadd.s32 $0xFFFFFFFF  }
0xa7: {  	s26 =	simm.s32 $execute0_lowered;
	[smem:$0x3FD2] =	sst s25  }
0xa8: {  	s6 =	sshll.u32 s26, $0x1;
	_ =	strace $0x80000046;
	[dreg:$0x1] =	wrdreg $0xFFFFFFFF  }
0xa9: {  	s28 =	simm.s32 $_size_execute0_lowered;
	s5 =	sadd.s32 s5, s6;
	[dreg:$0x0] =	wrdreg $0x0  }
0xaa: {  	s6 =	sshll.u32 s28, $0x1;
	[dreg:$0x2] =	wrdreg s5  }
0xab: {  	[dreg:$0x3] =	wrdreg s6  }
0xac: {  	[dreg:$0x4] =	wrdreg $0xC0  }
0xad: {  	_ =	task [dreg:s9], $0x5FFFF  }
0xae: {  	[dreg:$0x1] =	wrdreg $0xFFFFFFFF  }
0xaf: {  	[dreg:$0x0] =	wrdreg $0x60  }
0xb0: {  	[dreg:$0x2] =	wrdreg s2  }
0xb1: {  	[dreg:$0x3] =	wrdreg s19  }
0xb2: {  	[dreg:$0x4] =	wrdreg s4  }
0xb3: {  	[dreg:$0x5] =	wrdreg $0x9  }
0xb4: {  	_ =	task.clear_ibuf [dreg:s9], $0x6FFFF;
	_ =	strace $0x90000046  }
0xb5: {  	s29 =	simm.s32 $0x9;
	_ =	strace $0x80000048  }
0xb6: {  	_ =	swait.ge [sflag:s29], $0x1  }
0xb7: {  	[sflag:s29] =	ssyncadd.s32 $0xFFFFFFFF  }
0xb8: {  	_ =	strace $0x90000048  }
0xb9: {  	_ =	sfence  }
0xba: {  	s30 =	sld [smem:$0x0];
	_ =	sdelay $0x2  }
0xbb: {  	s31 =	sshll.u32 s1, $0xD;
	s1 =	sshrl.u32 s1, $0x2  }
0xbc: {  	s3 =	sand.u32 $0x4000, s31;
	s1 =	sadd.s32 s1, s30  }
0xbd: {  	s0 =	sor.u32 s3, s0;
	s1 =	sshll.u32 s1, $0x11  }
0xbe: {  	s0 =	sor.u32 s1, s0  }
0xbf: {  	s0 =	sadd.s32 $0x8F2B, s0  }
0xc0: {  	[sflag:s0] =	ssyncadd.remote.s32 $0x1  }
0xc1: {  	_ =	sfence.sel $0xFFFF  }
0xc2: {  	[dreg:$0x0] =	wrdreg $0xFFFFFFFF;
	(pc) =	sbr.abs _section_cstart, $3  }
0xc3: {  	[dreg:$0x1] =	wrdreg $0xFFFFFFFF  }
0xc4: {  	_ =	task.clear_ibuf [dreg:s9], $0x2FFFF;
	_ =	strace $0x9FFFFFFF  }
0xc5: {  	(tm) =	ssettm $0x7FFFFFFF  }
tec
execute0_lowered:
.L_overlay_start_1:
0x0: {  	(tag) =	ssettag $0x1  }
0x1: {  	s1 =	rddreg [dreg:$0x0]  }
0x2: {  	s4 =	rddreg [dreg:$0x1]  }
0x3: {  	s5 =	rddreg [dreg:$0x2]  }
0x4: {  	s0 =	rddreg [dreg:$0x3];
	s6 =	srdreg.scid  }
0x5: {  	s3 =	simm.s32 $0x0;
	s2 =	stileid.u32;
	s10 =	simm.s32 $0x200  }
0x6: {  	s11 =	simm.s32 $0x8200;
	s12 =	simm.s32 $0x1;
	s13 =	simm.s32 $0x2  }
0x7: {  	s14 =	simm.s32 $0x0;
	s6 =	sand.u32 $0x1, s6;
	[smem:$0x7FF] =	sst s3  }
0x8: {  	s7 =	sshll.u32 s2, $0xA;
	s8 =	sshll.u32 s6, $0x9;
	s6 =	ssub.s32 $0x2, s6  }
0x9: {  	_ =	strace $0x80000047;
	s7 =	sor.u32 s8, s7;
	s31 =	sshrl.u32 s6, $0x1  }
0xa: {  	s9 =	sshrl.u32 s7, $0x3;
	s7 =	sshll.u32 s7, $0x4;
	s8 =	ssub.s32 s6, s31  }
0xb: {  	s4 =	sadd.s32 s4, s9;
	s5 =	sadd.s32 s5, s7;
	s7 =	smax.u32 s8, $0x1  }
0xc: {  	s8 =	simm.s32 $0x3;
	s9 =	simm.s32 $0x100;
	s6 =	sadd.s32 $0x1000, s5  }
.LBB2_1:
0xd: {  	[tilespmem:s3], [sflag:$0x3] =	stream.linear.gather [hbm4b:s4+s3], $0x200, $0x38;
	[tilespmem:$0x10200] =	vst v63  }
0xe: {  	_ =	swait.ge [sflag:s8], $0x200  }
0xf: {  	[sflag:s8] =	ssyncset.done $0x0  }
0x10: {  	[sflag:s8] =	ssyncadd.s32 $0xFFFFFE00  }
0x11: {  	[tilespmem:s10], [sflag:$0x1] =	stream.indirect.gather [hbm4b:s1+s9], $0x80, s3, s9, $0xb8;
	[tilespmem:$0x10200] =	vst v63  }
0x12: {  	_ = 	snop  }
0x13: {  	[tilespmem:s11], [sflag:$0x1] =	stream.indirect.gather [hbm4b:s1+s9], $0x80, s9, s9, $0xb8;
	[tilespmem:$0x10200] =	vst v63  }
0x14: {  	_ =	swait.ge [sflag:s12], $0x8000  }
0x15: {  	[sflag:s12] =	ssyncset.done $0x0  }
0x16: {  	s15 =	simm.s32 $0x0;
	[sflag:s12] =	ssyncadd.s32 $0xFFFF8000  }
0x17: {  	v3 =	vld [tilespmem:s15+$0x200]  }
0x18: {  	v5 =	vld [tilespmem:s15+$0x210]  }
0x19: {  	v4 =	vld [tilespmem:s15+$0x220]  }
0x1a: {  	v2 =	vld [tilespmem:s15+$0x230]  }
0x1b: {  	v0 =	vld [tilespmem:s15+$0x240]  }
0x1c: {  	v1 =	vld [tilespmem:s15+$0x250];
	v6 =	vadd.f32 v3, v3  }
0x1d: {  	s16 =	simm.s32 $0x200;
	v5 =	vadd.f32 v5, v5;
	v3 =	vld [tilespmem:s15+$0x260]  }
.LBB2_2:
0x1e: {  	s17 =	sshra.s32 s16, $0x2;
	p0 =	sne.s32 s16, $0x1FE00;
	[tilespmem:s15+$0x200] =	vst v6;
	v4 =	vadd.f32 v4, v4;
	v6 =	vld [tilespmem:s15+$0x270]  }
0x1f: {  	v7 =	vld [tilespmem:s17+$0x200];
	[tilespmem:s15+$0x210] =	vst v5;
	v2 =	vadd.f32 v2, v2  }
0x20: {  	v5 =	vld [tilespmem:s17+$0x210];
	[tilespmem:s15+$0x220] =	vst v4;
	v0 =	vadd.f32 v0, v0  }
.Ltmp0:
0x21: {  	v4 =	vld [tilespmem:s17+$0x220];
	[tilespmem:s15+$0x230] =	vst v2;
	v1 =	vadd.f32 v1, v1;
	(pc) =	sbr.rel @p0 .LBB2_2-.Ltmp0, $4  }
0x22: {  	v2 =	vld [tilespmem:s17+$0x230];
	[tilespmem:s15+$0x240] =	vst v0;
	v3 =	vadd.f32 v3, v3  }
0x23: {  	v0 =	vld [tilespmem:s17+$0x240];
	[tilespmem:s15+$0x250] =	vst v1;
	v8 =	vadd.f32 v6, v6  }
0x24: {  	v6 =	vadd.f32 v7, v7;
	v1 =	vld [tilespmem:s17+$0x250];
	[tilespmem:s15+$0x260] =	vst v3  }
0x25: {  	s16 =	sadd.s32 $0x200, s16;
	v5 =	vadd.f32 v5, v5;
	v3 =	vld [tilespmem:s17+$0x260];
	[tilespmem:s15+$0x270] =	vst v8;
	s15 =	smov.u32 s17  }
0x26: {  	[tilespmem:s15+$0x200] =	vst v6;
	v4 =	vadd.f32 v4, v4;
	v6 =	vld [tilespmem:s15+$0x270]  }
0x27: {  	[tilespmem:s15+$0x210] =	vst v5;
	v2 =	vadd.f32 v2, v2  }
0x28: {  	[tilespmem:s15+$0x220] =	vst v4;
	v0 =	vadd.f32 v0, v0  }
0x29: {  	[tilespmem:s15+$0x230] =	vst v2;
	v1 =	vadd.f32 v1, v1  }
0x2a: {  	[tilespmem:s15+$0x240] =	vst v0;
	v0 =	vadd.f32 v3, v3  }
0x2b: {  	[tilespmem:s15+$0x250] =	vst v1;
	v1 =	vadd.f32 v6, v6  }
0x2c: {  	[tilespmem:s15+$0x260] =	vst v0  }
0x2d: {  	s31 =	simm.s32 $0x0;
	[tilespmem:s15+$0x270] =	vst v1  }
0x2e: {  	[hbm4b:s5+s31] =	stream.linear.scatter [tilespmem:s10], [sflag:$0x2], $0x8000, $0x38;
	[tilespmem:$0x10200] =	vst v63  }
0x2f: {  	_ =	swait.ge [sflag:s12], $0x8000  }
0x30: {  	[sflag:s12] =	ssyncset.done $0x0  }
0x31: {  	s15 =	simm.s32 $0x0;
	[sflag:s12] =	ssyncadd.s32 $0xFFFF8000  }
0x32: {  	v3 =	vld [tilespmem:s15+$0x8200]  }
0x33: {  	v5 =	vld [tilespmem:s15+$0x8210]  }
0x34: {  	v4 =	vld [tilespmem:s15+$0x8220]  }
0x35: {  	v2 =	vld [tilespmem:s15+$0x8230]  }
0x36: {  	v0 =	vld [tilespmem:s15+$0x8240]  }
0x37: {  	v1 =	vld [tilespmem:s15+$0x8250];
	v6 =	vadd.f32 v3, v3  }
0x38: {  	s16 =	simm.s32 $0x200;
	v5 =	vadd.f32 v5, v5;
	v3 =	vld [tilespmem:s15+$0x8260]  }
.LBB2_4:
0x39: {  	s17 =	sshra.s32 s16, $0x2;
	p0 =	sne.s32 s16, $0x1FE00;
	[tilespmem:s15+$0x8200] =	vst v6;
	v4 =	vadd.f32 v4, v4;
	v6 =	vld [tilespmem:s15+$0x8270]  }
0x3a: {  	v7 =	vld [tilespmem:s17+$0x8200];
	[tilespmem:s15+$0x8210] =	vst v5;
	v2 =	vadd.f32 v2, v2  }
0x3b: {  	v5 =	vld [tilespmem:s17+$0x8210];
	[tilespmem:s15+$0x8220] =	vst v4;
	v0 =	vadd.f32 v0, v0  }
.Ltmp1:
0x3c: {  	v4 =	vld [tilespmem:s17+$0x8220];
	[tilespmem:s15+$0x8230] =	vst v2;
	v1 =	vadd.f32 v1, v1;
	(pc) =	sbr.rel @p0 .LBB2_4-.Ltmp1, $4  }
0x3d: {  	v2 =	vld [tilespmem:s17+$0x8230];
	[tilespmem:s15+$0x8240] =	vst v0;
	v3 =	vadd.f32 v3, v3  }
0x3e: {  	v0 =	vld [tilespmem:s17+$0x8240];
	[tilespmem:s15+$0x8250] =	vst v1;
	v8 =	vadd.f32 v6, v6  }
0x3f: {  	v6 =	vadd.f32 v7, v7;
	v1 =	vld [tilespmem:s17+$0x8250];
	[tilespmem:s15+$0x8260] =	vst v3  }
0x40: {  	s16 =	sadd.s32 $0x200, s16;
	v5 =	vadd.f32 v5, v5;
	v3 =	vld [tilespmem:s17+$0x8260];
	[tilespmem:s15+$0x8270] =	vst v8;
	s15 =	smov.u32 s17  }
0x41: {  	[tilespmem:s15+$0x8200] =	vst v6;
	v4 =	vadd.f32 v4, v4;
	v61 =	vld [tilespmem:s15+$0x8270]  }
0x42: {  	[tilespmem:s15+$0x8210] =	vst v5;
	v2 =	vadd.f32 v2, v2  }
0x43: {  	[tilespmem:s15+$0x8220] =	vst v4;
	v0 =	vadd.f32 v0, v0  }
0x44: {  	[tilespmem:s15+$0x8230] =	vst v2;
	v1 =	vadd.f32 v1, v1  }
0x45: {  	[tilespmem:s15+$0x8240] =	vst v0;
	v62 =	vadd.f32 v3, v3  }
0x46: {  	[tilespmem:s15+$0x8250] =	vst v1;
	v63 =	vadd.f32 v61, v61  }
0x47: {  	[tilespmem:s15+$0x8260] =	vst v62  }
0x48: {  	s14 =	sadd.s32 $0x1, s14;
	[tilespmem:s15+$0x8270] =	vst v63  }
0x49: {  	[hbm4b:s6+s3] =	stream.linear.scatter [tilespmem:s11], [sflag:$0x2], $0x8000, $0x38;
	[tilespmem:$0x10200] =	vst v63  }
0x4a: {  	p0 =	sne.s32 s14, s7;
	_ =	swait.ge [sflag:s13], $0x8000  }
.Ltmp2:
0x4b: {  	[sflag:s13] =	ssyncset.done $0x0;
	(pc) =	sbr.rel @p0 .LBB2_1-.Ltmp2, $4  }
0x4c: {  	[sflag:s13] =	ssyncadd.s32 $0xFFFF8000  }
0x4d: {  	_ =	swait.ge [sflag:s13], $0x8000  }
0x4e: {  	[sflag:s13] =	ssyncset.done $0x0  }
0x4f: {  	[sflag:s13] =	ssyncadd.s32 $0xFFFF8000  }
0x50: {  	_ =	sfence.sel $0x180000  }
0x51: {  	[bflag:$0x0] =	sbarrier.arrive $0xFFFF  }
0x52: {  	p0 =	sne.s32 s2, $0x0;
	_ =	strace $0x90000047  }
0x53: {  	s0 =	sadd.s32 @!p0 $0x100000, s0;
	[bflag:$0x2] =	sbarrier.arrive $0xFFFF  }
0x54: {  	[sflag:s0] =	ssyncadd.tile.s32 @!p0 $0x1;
	_ =	shalt  }
.Lfunc_end2:
_tile_overlayer_lowered:
.L_overlay_start_2:
0x55: {  	(tag) =	ssettag $0x2  }
0x56: {  	s0 =	rddreg [dreg:$0x0];
	s2 =	stileid.u32  }
0x57: {  	s1 =	rddreg [dreg:$0x1];
	p0 =	sne.s32 s2, $0x0  }
0x58: {  	s3 =	rddreg [dreg:$0x2];
	[bflag:$0x3] =	sbarrier.arrive $0xFFFF;
	s2 =	simm.s32 @!p0 $0x1C03  }
0x59: {  	[timem:s3], [sflag:s2] =	dma.local @!p0 [hbm:s0], s1  }
0x5a: {  	s0 =	simm.s32 @!p0 $0x3  }
0x5b: {  	_ =	swait.ge @!p0 [sflag:s0], s1  }
0x5c: {  	s1 =	ssub.s32 @!p0 $0x0, s1;
	[sflag:s0] =	ssyncset.done @!p0 $0x0  }
0x5d: {  	[sflag:s0] =	ssyncadd.s32 @!p0 s1  }
0x5e: {  	[bflag:$0x3] =	sbarrier.arrive $0xFFFF  }
0x5f: {  	_ =	shalt  }

</sc_bundles>
